<compile_context>
chip_gen: v7x
topology: tpu7x:2x2x1
jax: 0.10.2.dev20260603
libtpu: 0.0.44.dev20260713+nightly
codegen_flags: <defaults>
</compile_context>

<pallas_src>
import dataclasses
import functools

import jax
import jax.numpy as jnp
from jax import lax
from jax.experimental import pallas as pl
from jax.experimental.pallas import tpu as pltpu
from jax.experimental.pallas import tpu_sc as plsc

BS, FL, BAG, D = 1024, 100, 20, 32
NB = FL * BAG
RB = 128
NC, NS = 2, 16
NW = NC * NS
BPW = BS // NW
RBLK = 16
WPR = 1024
NBLK = BPW // RBLK
UNROLL = 4
MAXN = 1.0
EPS = 1e-7


def _sc_hist(addr_flat):
    mesh = plsc.VectorSubcoreMesh(core_axis_name="c", subcore_axis_name="s")
    cp = pltpu.CompilerParams()
    if "needs_layout_passes" in pltpu.CompilerParams.__dataclass_fields__:
        cp = dataclasses.replace(cp, needs_layout_passes=False)

    @functools.partial(
        pl.kernel,
        out_type=jax.ShapeDtypeStruct((BS * RB,), jnp.float32),
        mesh=mesh,
        compiler_params=cp,
        scratch_types=[
            pltpu.VMEM((RBLK * NB // 2,), jnp.int32),
            pltpu.VMEM((RBLK * NB // 2,), jnp.int32),
            pltpu.VMEM((RBLK * RB,), jnp.float32),
            pltpu.VMEM((RBLK * RB,), jnp.float32),
            pltpu.SemaphoreType.DMA,
            pltpu.SemaphoreType.DMA,
            pltpu.SemaphoreType.DMA,
            pltpu.SemaphoreType.DMA,
        ],
    )
    def k(addr_hbm, out_hbm, b0, b1, a0, a1, si0, si1, so0, so1):
        wid = lax.axis_index("s") * NC + lax.axis_index("c")
        row0 = wid * BPW
        bufs, accs = (b0, b1), (a0, a1)
        sis, sos = (si0, si1), (so0, so1)

        ones = jnp.ones((16,), jnp.float32)
        zero = jnp.zeros((16,), jnp.float32)

        in_cp = [None, None]
        out_cp = [None, None]
        in_cp[0] = pltpu.async_copy(
            addr_hbm.at[pl.ds(row0 * (NB // 2), RBLK * NB // 2)], b0, si0)

        for blk in range(NBLK):
            p = blk % 2
            buf, acc = bufs[p], accs[p]
            if blk + 1 < NBLK:
                q = (blk + 1) % 2
                in_cp[q] = pltpu.async_copy(
                    addr_hbm.at[pl.ds((row0 + (blk + 1) * RBLK) * (NB // 2),
                                      RBLK * NB // 2)],
                    bufs[q], sis[q])
            if out_cp[p] is not None:
                out_cp[p].wait()

            @pl.loop(0, RBLK * RB, step=64)
            def _(i):
                acc[pl.ds(i, 16)] = zero
                acc[pl.ds(i + 16, 16)] = zero
                acc[pl.ds(i + 32, 16)] = zero
                acc[pl.ds(i + 48, 16)] = zero

            in_cp[p].wait()

            @pl.loop(0, RBLK * NB // 2, step=16 * UNROLL)
            def _(c):
                for u in range(UNROLL):
                    packed = buf[pl.ds(c + 16 * u, 16)]
                    a0 = packed & 0xFFFF
                    a1 = lax.shift_right_logical(packed, 16)
                    plsc.addupdate_scatter(acc, [a0], ones)
                    plsc.addupdate_scatter(acc, [a1], ones)

            out_cp[p] = pltpu.async_copy(
                acc, out_hbm.at[pl.ds((row0 + blk * RBLK) * RB, RBLK * RB)],
                sos[p])

        out_cp[0].wait()
        out_cp[1].wait()

    return k(addr_flat)


def _tc_combine(W, mask_pad, pt_pad, vt_pad):

    def body(w_ref, m_ref, pt_ref, vt_ref, o_ref):
        def renorm(x):
            n = jnp.sqrt(jnp.sum(x * x, axis=-1, keepdims=True))
            return x * jnp.minimum(1.0, MAXN / jnp.maximum(n, EPS))

        vt = renorm(vt_ref[...])
        pt = renorm(pt_ref[...])
        acc = jnp.dot(w_ref[...], vt, preferred_element_type=jnp.float32,
                      precision=lax.Precision.HIGHEST)
        acc = acc + jnp.dot(m_ref[...], pt, preferred_element_type=jnp.float32,
                            precision=lax.Precision.HIGHEST)
        o_ref[...] = acc * (1.0 / FL)

    return pl.pallas_call(
        body,
        out_shape=jax.ShapeDtypeStruct((BS, D), jnp.float32),
    )(W, mask_pad, pt_pad, vt_pad)


def kernel(value_bin_ind, bin_mask, pos_table, val_table):
    idx = value_bin_ind.astype(jnp.int32)
    dead = FL + (jnp.arange(NB, dtype=jnp.int32) % 27).reshape(FL, BAG)
    masked = jnp.where((bin_mask > 0)[:, :, None], idx, dead[None])
    row_off = (jnp.arange(BS, dtype=jnp.int32) % RBLK) * RB
    addr = masked.reshape(BS, NB) + row_off[:, None]
    pairs = addr.reshape(BS, NB // 2, 2)
    packed = pairs[:, :, 0] | (pairs[:, :, 1] << 16)
    W = _sc_hist(packed.reshape(-1)).reshape(BS, RB)
    mask_pad = jnp.pad(bin_mask.astype(jnp.float32), ((0, 0), (0, RB - FL)))
    pt_pad = jnp.pad(pos_table, ((0, RB - FL), (0, 0)))
    vt_pad = jnp.pad(val_table, ((0, RB - FL), (0, 0)))
    return _tc_combine(W, mask_pad, pt_pad, vt_pad)

# --- scband reference (transcript-rebuilt; emitter-appended) ---
"""Pipeline reference for scband-most-simple-cell-encoder-38354057953704 (READ-ONLY COPY).

The authoritative reference and input builder live on the scoring server;
editing this copy changes nothing except your own understanding.
"""

import jax, jax.numpy as jnp
import numpy as np

BS, FEATURE_LEN, BIN_REPR_LEN, EMB_DIM = 1024, 100, 20, 32
MAX_NORM = 1.0  # emb_normalization=True -> max_norm=1.0 in torch


def _renorm(emb, max_norm=MAX_NORM, eps=1e-7):
    # torch max_norm semantics: rows with norm > max_norm are scaled down to max_norm
    n = jnp.linalg.norm(emb, axis=-1, keepdims=True)
    scale = jnp.minimum(1.0, max_norm / jnp.maximum(n, eps))
    return emb * scale


def setup_inputs(seed: int = 0) -> dict:
    key = jax.random.key(seed)
    k1, k2, k3, k4 = jax.random.split(key, 4)
    value_bin_ind = jax.random.randint(k1, (BS, FEATURE_LEN, BIN_REPR_LEN), 0, FEATURE_LEN, dtype=jnp.int64 if jax.config.jax_enable_x64 else jnp.int32)
    bin_mask = (jax.random.uniform(k2, (BS, FEATURE_LEN)) < 0.5).astype(jnp.float32)
    pos_table = jax.random.normal(k3, (FEATURE_LEN, EMB_DIM), dtype=jnp.float32)
    val_table = jax.random.normal(k4, (FEATURE_LEN, EMB_DIM), dtype=jnp.float32)
    return {"value_bin_ind": value_bin_ind, "bin_mask": bin_mask, "pos_table": pos_table, "val_table": val_table}


def reference(value_bin_ind, bin_mask, pos_table, val_table):
    bs = value_bin_ind.shape[0]
    # pos_embeddings(arange(feature_len)) repeated over batch -> gather of full table
    pos_idx = jnp.arange(FEATURE_LEN)
    pos_emb = _renorm(jnp.take(pos_table, pos_idx, axis=0))  # (feature_len, emb_dim)
    pos_emb = jnp.broadcast_to(pos_emb[None, :, :], (bs, FEATURE_LEN, EMB_DIM))
    # EmbeddingBag(mode='sum', max_norm=1.0) applied per (bs, feature_len) bag of size bin_repr_len
    val_gathered = _renorm(jnp.take(val_table, value_bin_ind, axis=0))  # (bs, fl, L, d)
    val_emb = jnp.sum(val_gathered, axis=2)  # (bs, fl, d)
    emb = jnp.mean((val_emb + pos_emb) * bin_mask[..., None], axis=1)  # (bs, d)
    return emb

if __name__ == "__main__":
    import jax
    _d = setup_inputs()
    print(jax.jit(kernel)(*tuple(_d.values())))

</pallas_src>

<mosaic_0001>
#map = affine_map<(d0, d1) -> (0)>
module attributes {stable_mosaic.version = 14 : i64} {
  func.func @k(%arg0: i32, %arg1: i32, %arg2: memref<1024000xi32, #tpu.memory_space<hbm>>, %arg3: memref<131072xf32, #tpu.memory_space<hbm>>, %arg4: memref<16000xi32, #tpu.memory_space<vmem>>, %arg5: memref<16000xi32, #tpu.memory_space<vmem>>, %arg6: memref<2048xf32, #tpu.memory_space<vmem>>, %arg7: memref<2048xf32, #tpu.memory_space<vmem>>, %arg8: memref<!tpu.dma_semaphore, #tpu.memory_space<semaphore_mem>>, %arg9: memref<!tpu.dma_semaphore, #tpu.memory_space<semaphore_mem>>, %arg10: memref<!tpu.dma_semaphore, #tpu.memory_space<semaphore_mem>>, %arg11: memref<!tpu.dma_semaphore, #tpu.memory_space<semaphore_mem>>) attributes {dimension_semantics = [#tpu.dimension_semantics<core_parallel>, #tpu.dimension_semantics<subcore_parallel>], iteration_bounds = array<i64: 2, 16>, scalar_prefetch = 0 : i64, scratch_operands = 8 : i64, tpu.core_type = #tpu.core_type<sc_vector_subcore>, window_params = [{transform_indices = #map}, {transform_indices = #map}]} {
    %mul3A = arith.constant 2 : i32
    %mul3A_0 = arith.muli %arg1, %mul3A : i32
    %add3A = arith.addi %mul3A_0, %arg0 : i32
    %mul3A_1 = arith.constant 32 : i32
    %mul3A_2 = arith.muli %add3A, %mul3A_1 : i32
    %broadcast_in_dim3A = arith.constant 1.000000e+00 : f32
    %broadcast_in_dim3A_3 = vector.broadcast %broadcast_in_dim3A : f32 to vector<16xf32>
    %broadcast_in_dim3A_4 = arith.constant 0.000000e+00 : f32
    %broadcast_in_dim3A_5 = vector.broadcast %broadcast_in_dim3A_4 : f32 to vector<16xf32>
    %mul3A_6 = arith.constant 1000 : i32
    %mul3A_7 = arith.muli %mul3A_2, %mul3A_6 : i32
    %dma_start3A = tpu.memref_slice %arg2[%mul3A_7] : memref<1024000xi32, #tpu.memory_space<hbm>> -> memref<16000xi32, #tpu.memory_space<hbm>>
    %dma_start3A_8 = tpu.memref_slice %arg2[%mul3A_7] : memref<1024000xi32, #tpu.memory_space<hbm>> -> memref<16000xi32, #tpu.memory_space<hbm>>
    tpu.enqueue_dma source(%dma_start3A_8 : memref<16000xi32, #tpu.memory_space<hbm>>) target(%arg4 : memref<16000xi32, #tpu.memory_space<vmem>>) target_semaphore(%arg8 : memref<!tpu.dma_semaphore, #tpu.memory_space<semaphore_mem>>)
    %add3A_9 = arith.constant 16 : i32
    %add3A_10 = arith.addi %mul3A_2, %add3A_9 : i32
    %mul3A_11 = arith.constant 1000 : i32
    %mul3A_12 = arith.muli %add3A_10, %mul3A_11 : i32
    %dma_start3A_13 = tpu.memref_slice %arg2[%mul3A_12] : memref<1024000xi32, #tpu.memory_space<hbm>> -> memref<16000xi32, #tpu.memory_space<hbm>>
    %dma_start3A_14 = tpu.memref_slice %arg2[%mul3A_12] : memref<1024000xi32, #tpu.memory_space<hbm>> -> memref<16000xi32, #tpu.memory_space<hbm>>
    tpu.enqueue_dma source(%dma_start3A_14 : memref<16000xi32, #tpu.memory_space<hbm>>) target(%arg5 : memref<16000xi32, #tpu.memory_space<vmem>>) target_semaphore(%arg9 : memref<!tpu.dma_semaphore, #tpu.memory_space<semaphore_mem>>)
    %scan3A = arith.constant 0 : i32
    %scan3A_15 = arith.constant 32 : i32
    %scan3A_16 = arith.addi %scan3A, %scan3A_15 : i32
    %scan3A_17 = arith.constant 1 : i32
    scf.for %scan3A_53 = %scan3A to %scan3A_16 step %scan3A_17  : i32 {
      %mul3A_54 = arith.constant 64 : i32
      %mul3A_55 = arith.muli %scan3A_53, %mul3A_54 : i32
      %add3A_56 = arith.constant 0 : i32
      %add3A_57 = arith.addi %add3A_56, %mul3A_55 : i32
      %swap3A = arith.index_cast %add3A_57 : i32 to index
      %swap3A_58 = tpu.vector_load %arg6[%swap3A] {strides = array<i32>} : memref<2048xf32, #tpu.memory_space<vmem>>, vector<16xf32>,
      tpu.vector_store %arg6[%swap3A], %broadcast_in_dim3A_5 {strides = array<i32>} : memref<2048xf32, #tpu.memory_space<vmem>>, vector<16xf32>,
      %add3A_59 = arith.constant 16 : i32
      %add3A_60 = arith.addi %add3A_57, %add3A_59 : i32
      %swap3A_61 = arith.index_cast %add3A_60 : i32 to index
      %swap3A_62 = tpu.vector_load %arg6[%swap3A_61] {strides = array<i32>} : memref<2048xf32, #tpu.memory_space<vmem>>, vector<16xf32>,
      tpu.vector_store %arg6[%swap3A_61], %broadcast_in_dim3A_5 {strides = array<i32>} : memref<2048xf32, #tpu.memory_space<vmem>>, vector<16xf32>,
      %add3A_63 = arith.constant 32 : i32
      %add3A_64 = arith.addi %add3A_57, %add3A_63 : i32
      %swap3A_65 = arith.index_cast %add3A_64 : i32 to index
      %swap3A_66 = tpu.vector_load %arg6[%swap3A_65] {strides = array<i32>} : memref<2048xf32, #tpu.memory_space<vmem>>, vector<16xf32>,
      tpu.vector_store %arg6[%swap3A_65], %broadcast_in_dim3A_5 {strides = array<i32>} : memref<2048xf32, #tpu.memory_space<vmem>>, vector<16xf32>,
      %add3A_67 = arith.constant 48 : i32
      %add3A_68 = arith.addi %add3A_57, %add3A_67 : i32
      %swap3A_69 = arith.index_cast %add3A_68 : i32 to index
      %swap3A_70 = tpu.vector_load %arg6[%swap3A_69] {strides = array<i32>} : memref<2048xf32, #tpu.memory_space<vmem>>, vector<16xf32>,
      tpu.vector_store %arg6[%swap3A_69], %broadcast_in_dim3A_5 {strides = array<i32>} : memref<2048xf32, #tpu.memory_space<vmem>>, vector<16xf32>,
    }
    %scan3A_18 = arith.constant 32 : i32
    %dma_wait3A = tpu.memref_slice %arg2[%mul3A_7] : memref<1024000xi32, #tpu.memory_space<hbm>> -> memref<16000xi32, #tpu.memory_space<hbm>>
    %dma_wait3A_19 = tpu.memref_slice %arg2[%mul3A_7] : memref<1024000xi32, #tpu.memory_space<hbm>> -> memref<16000xi32, #tpu.memory_space<hbm>>
    tpu.wait_dma2 semaphore(%arg8 : memref<!tpu.dma_semaphore, #tpu.memory_space<semaphore_mem>>) src(%dma_wait3A_19 : memref<16000xi32, #tpu.memory_space<hbm>>) dst(%arg4 : memref<16000xi32, #tpu.memory_space<vmem>>)
    %scan3A_20 = arith.constant 0 : i32
    %scan3A_21 = arith.constant 250 : i32
    %scan3A_22 = arith.addi %scan3A_20, %scan3A_21 : i32
    %scan3A_23 = arith.constant 1 : i32
    scf.for %scan3A_53 = %scan3A_20 to %scan3A_22 step %scan3A_23  : i32 {
      %mul3A_54 = arith.constant 64 : i32
      %mul3A_55 = arith.muli %scan3A_53, %mul3A_54 : i32
      %add3A_56 = arith.constant 0 : i32
      %add3A_57 = arith.addi %add3A_56, %mul3A_55 : i32
      %add3A_58 = arith.constant 0 : i32
      %add3A_59 = arith.addi %add3A_57, %add3A_58 : i32
      %get3A = arith.index_cast %add3A_59 : i32 to index
      %get3A_60 = tpu.vector_load %arg4[%get3A] {strides = array<i32>} : memref<16000xi32, #tpu.memory_space<vmem>>, vector<16xi32>,
      %and3A = arith.constant 65535 : i32
      %and3A_61 = vector.broadcast %and3A : i32 to vector<16xi32>
      %and3A_62 = arith.andi %get3A_60, %and3A_61 : vector<16xi32>
      %shift_right_logical3A = arith.constant 16 : i32
      %shift_right_logical3A_63 = vector.broadcast %shift_right_logical3A : i32 to vector<16xi32>
      %shift_right_logical3A_64 = arith.shrui %get3A_60, %shift_right_logical3A_63 : vector<16xi32>
      tpu.vector_store_idx %arg6[%and3A_62], %broadcast_in_dim3A_3 {add = true} : memref<2048xf32, #tpu.memory_space<vmem>>[vector<16xi32>], vector<16xf32>,
      tpu.vector_store_idx %arg6[%shift_right_logical3A_64], %broadcast_in_dim3A_3 {add = true} : memref<2048xf32, #tpu.memory_space<vmem>>[vector<16xi32>], vector<16xf32>,
      %add3A_65 = arith.constant 16 : i32
      %add3A_66 = arith.addi %add3A_57, %add3A_65 : i32
      %get3A_67 = arith.index_cast %add3A_66 : i32 to index
      %get3A_68 = tpu.vector_load %arg4[%get3A_67] {strides = array<i32>} : memref<16000xi32, #tpu.memory_space<vmem>>, vector<16xi32>,
      %and3A_69 = arith.constant 65535 : i32
      %and3A_70 = vector.broadcast %and3A_69 : i32 to vector<16xi32>
      %and3A_71 = arith.andi %get3A_68, %and3A_70 : vector<16xi32>
      %shift_right_logical3A_72 = arith.constant 16 : i32
      %shift_right_logical3A_73 = vector.broadcast %shift_right_logical3A_72 : i32 to vector<16xi32>
      %shift_right_logical3A_74 = arith.shrui %get3A_68, %shift_right_logical3A_73 : vector<16xi32>
      tpu.vector_store_idx %arg6[%and3A_71], %broadcast_in_dim3A_3 {add = true} : memref<2048xf32, #tpu.memory_space<vmem>>[vector<16xi32>], vector<16xf32>,
      tpu.vector_store_idx %arg6[%shift_right_logical3A_74], %broadcast_in_dim3A_3 {add = true} : memref<2048xf32, #tpu.memory_space<vmem>>[vector<16xi32>], vector<16xf32>,
      %add3A_75 = arith.constant 32 : i32
      %add3A_76 = arith.addi %add3A_57, %add3A_75 : i32
      %get3A_77 = arith.index_cast %add3A_76 : i32 to index
      %get3A_78 = tpu.vector_load %arg4[%get3A_77] {strides = array<i32>} : memref<16000xi32, #tpu.memory_space<vmem>>, vector<16xi32>,
      %and3A_79 = arith.constant 65535 : i32
      %and3A_80 = vector.broadcast %and3A_79 : i32 to vector<16xi32>
      %and3A_81 = arith.andi %get3A_78, %and3A_80 : vector<16xi32>
      %shift_right_logical3A_82 = arith.constant 16 : i32
      %shift_right_logical3A_83 = vector.broadcast %shift_right_logical3A_82 : i32 to vector<16xi32>
      %shift_right_logical3A_84 = arith.shrui %get3A_78, %shift_right_logical3A_83 : vector<16xi32>
      tpu.vector_store_idx %arg6[%and3A_81], %broadcast_in_dim3A_3 {add = true} : memref<2048xf32, #tpu.memory_space<vmem>>[vector<16xi32>], vector<16xf32>,
      tpu.vector_store_idx %arg6[%shift_right_logical3A_84], %broadcast_in_dim3A_3 {add = true} : memref<2048xf32, #tpu.memory_space<vmem>>[vector<16xi32>], vector<16xf32>,
      %add3A_85 = arith.constant 48 : i32
      %add3A_86 = arith.addi %add3A_57, %add3A_85 : i32
      %get3A_87 = arith.index_cast %add3A_86 : i32 to index
      %get3A_88 = tpu.vector_load %arg4[%get3A_87] {strides = array<i32>} : memref<16000xi32, #tpu.memory_space<vmem>>, vector<16xi32>,
      %and3A_89 = arith.constant 65535 : i32
      %and3A_90 = vector.broadcast %and3A_89 : i32 to vector<16xi32>
      %and3A_91 = arith.andi %get3A_88, %and3A_90 : vector<16xi32>
      %shift_right_logical3A_92 = arith.constant 16 : i32
      %shift_right_logical3A_93 = vector.broadcast %shift_right_logical3A_92 : i32 to vector<16xi32>
      %shift_right_logical3A_94 = arith.shrui %get3A_88, %shift_right_logical3A_93 : vector<16xi32>
      tpu.vector_store_idx %arg6[%and3A_91], %broadcast_in_dim3A_3 {add = true} : memref<2048xf32, #tpu.memory_space<vmem>>[vector<16xi32>], vector<16xf32>,
      tpu.vector_store_idx %arg6[%shift_right_logical3A_94], %broadcast_in_dim3A_3 {add = true} : memref<2048xf32, #tpu.memory_space<vmem>>[vector<16xi32>], vector<16xf32>,
    }
    %scan3A_24 = arith.constant 250 : i32
    %add3A_25 = arith.constant 0 : i32
    %add3A_26 = arith.addi %mul3A_2, %add3A_25 : i32
    %mul3A_27 = arith.constant 128 : i32
    %mul3A_28 = arith.muli %add3A_26, %mul3A_27 : i32
    %dma_start3A_29 = tpu.memref_slice %arg3[%mul3A_28] : memref<131072xf32, #tpu.memory_space<hbm>> -> memref<2048xf32, #tpu.memory_space<hbm>>
    %dma_start3A_30 = tpu.memref_slice %arg3[%mul3A_28] : memref<131072xf32, #tpu.memory_space<hbm>> -> memref<2048xf32, #tpu.memory_space<hbm>>
    tpu.enqueue_dma source(%arg6 : memref<2048xf32, #tpu.memory_space<vmem>>) target(%dma_start3A_30 : memref<2048xf32, #tpu.memory_space<hbm>>) target_semaphore(%arg10 : memref<!tpu.dma_semaphore, #tpu.memory_space<semaphore_mem>>)
    %scan3A_31 = arith.constant 0 : i32
    %scan3A_32 = arith.constant 32 : i32
    %scan3A_33 = arith.addi %scan3A_31, %scan3A_32 : i32
    %scan3A_34 = arith.constant 1 : i32
    scf.for %scan3A_53 = %scan3A_31 to %scan3A_33 step %scan3A_34  : i32 {
      %mul3A_54 = arith.constant 64 : i32
      %mul3A_55 = arith.muli %scan3A_53, %mul3A_54 : i32
      %add3A_56 = arith.constant 0 : i32
      %add3A_57 = arith.addi %add3A_56, %mul3A_55 : i32
      %swap3A = arith.index_cast %add3A_57 : i32 to index
      %swap3A_58 = tpu.vector_load %arg7[%swap3A] {strides = array<i32>} : memref<2048xf32, #tpu.memory_space<vmem>>, vector<16xf32>,
      tpu.vector_store %arg7[%swap3A], %broadcast_in_dim3A_5 {strides = array<i32>} : memref<2048xf32, #tpu.memory_space<vmem>>, vector<16xf32>,
      %add3A_59 = arith.constant 16 : i32
      %add3A_60 = arith.addi %add3A_57, %add3A_59 : i32
      %swap3A_61 = arith.index_cast %add3A_60 : i32 to index
      %swap3A_62 = tpu.vector_load %arg7[%swap3A_61] {strides = array<i32>} : memref<2048xf32, #tpu.memory_space<vmem>>, vector<16xf32>,
      tpu.vector_store %arg7[%swap3A_61], %broadcast_in_dim3A_5 {strides = array<i32>} : memref<2048xf32, #tpu.memory_space<vmem>>, vector<16xf32>,
      %add3A_63 = arith.constant 32 : i32
      %add3A_64 = arith.addi %add3A_57, %add3A_63 : i32
      %swap3A_65 = arith.index_cast %add3A_64 : i32 to index
      %swap3A_66 = tpu.vector_load %arg7[%swap3A_65] {strides = array<i32>} : memref<2048xf32, #tpu.memory_space<vmem>>, vector<16xf32>,
      tpu.vector_store %arg7[%swap3A_65], %broadcast_in_dim3A_5 {strides = array<i32>} : memref<2048xf32, #tpu.memory_space<vmem>>, vector<16xf32>,
      %add3A_67 = arith.constant 48 : i32
      %add3A_68 = arith.addi %add3A_57, %add3A_67 : i32
      %swap3A_69 = arith.index_cast %add3A_68 : i32 to index
      %swap3A_70 = tpu.vector_load %arg7[%swap3A_69] {strides = array<i32>} : memref<2048xf32, #tpu.memory_space<vmem>>, vector<16xf32>,
      tpu.vector_store %arg7[%swap3A_69], %broadcast_in_dim3A_5 {strides = array<i32>} : memref<2048xf32, #tpu.memory_space<vmem>>, vector<16xf32>,
    }
    %scan3A_35 = arith.constant 32 : i32
    %dma_wait3A_36 = tpu.memref_slice %arg2[%mul3A_12] : memref<1024000xi32, #tpu.memory_space<hbm>> -> memref<16000xi32, #tpu.memory_space<hbm>>
    %dma_wait3A_37 = tpu.memref_slice %arg2[%mul3A_12] : memref<1024000xi32, #tpu.memory_space<hbm>> -> memref<16000xi32, #tpu.memory_space<hbm>>
    tpu.wait_dma2 semaphore(%arg9 : memref<!tpu.dma_semaphore, #tpu.memory_space<semaphore_mem>>) src(%dma_wait3A_37 : memref<16000xi32, #tpu.memory_space<hbm>>) dst(%arg5 : memref<16000xi32, #tpu.memory_space<vmem>>)
    %scan3A_38 = arith.constant 0 : i32
    %scan3A_39 = arith.constant 250 : i32
    %scan3A_40 = arith.addi %scan3A_38, %scan3A_39 : i32
    %scan3A_41 = arith.constant 1 : i32
    scf.for %scan3A_53 = %scan3A_38 to %scan3A_40 step %scan3A_41  : i32 {
      %mul3A_54 = arith.constant 64 : i32
      %mul3A_55 = arith.muli %scan3A_53, %mul3A_54 : i32
      %add3A_56 = arith.constant 0 : i32
      %add3A_57 = arith.addi %add3A_56, %mul3A_55 : i32
      %add3A_58 = arith.constant 0 : i32
      %add3A_59 = arith.addi %add3A_57, %add3A_58 : i32
      %get3A = arith.index_cast %add3A_59 : i32 to index
      %get3A_60 = tpu.vector_load %arg5[%get3A] {strides = array<i32>} : memref<16000xi32, #tpu.memory_space<vmem>>, vector<16xi32>,
      %and3A = arith.constant 65535 : i32
      %and3A_61 = vector.broadcast %and3A : i32 to vector<16xi32>
      %and3A_62 = arith.andi %get3A_60, %and3A_61 : vector<16xi32>
      %shift_right_logical3A = arith.constant 16 : i32
      %shift_right_logical3A_63 = vector.broadcast %shift_right_logical3A : i32 to vector<16xi32>
      %shift_right_logical3A_64 = arith.shrui %get3A_60, %shift_right_logical3A_63 : vector<16xi32>
      tpu.vector_store_idx %arg7[%and3A_62], %broadcast_in_dim3A_3 {add = true} : memref<2048xf32, #tpu.memory_space<vmem>>[vector<16xi32>], vector<16xf32>,
      tpu.vector_store_idx %arg7[%shift_right_logical3A_64], %broadcast_in_dim3A_3 {add = true} : memref<2048xf32, #tpu.memory_space<vmem>>[vector<16xi32>], vector<16xf32>,
      %add3A_65 = arith.constant 16 : i32
      %add3A_66 = arith.addi %add3A_57, %add3A_65 : i32
      %get3A_67 = arith.index_cast %add3A_66 : i32 to index
      %get3A_68 = tpu.vector_load %arg5[%get3A_67] {strides = array<i32>} : memref<16000xi32, #tpu.memory_space<vmem>>, vector<16xi32>,
      %and3A_69 = arith.constant 65535 : i32
      %and3A_70 = vector.broadcast %and3A_69 : i32 to vector<16xi32>
      %and3A_71 = arith.andi %get3A_68, %and3A_70 : vector<16xi32>
      %shift_right_logical3A_72 = arith.constant 16 : i32
      %shift_right_logical3A_73 = vector.broadcast %shift_right_logical3A_72 : i32 to vector<16xi32>
      %shift_right_logical3A_74 = arith.shrui %get3A_68, %shift_right_logical3A_73 : vector<16xi32>
      tpu.vector_store_idx %arg7[%and3A_71], %broadcast_in_dim3A_3 {add = true} : memref<2048xf32, #tpu.memory_space<vmem>>[vector<16xi32>], vector<16xf32>,
      tpu.vector_store_idx %arg7[%shift_right_logical3A_74], %broadcast_in_dim3A_3 {add = true} : memref<2048xf32, #tpu.memory_space<vmem>>[vector<16xi32>], vector<16xf32>,
      %add3A_75 = arith.constant 32 : i32
      %add3A_76 = arith.addi %add3A_57, %add3A_75 : i32
      %get3A_77 = arith.index_cast %add3A_76 : i32 to index
      %get3A_78 = tpu.vector_load %arg5[%get3A_77] {strides = array<i32>} : memref<16000xi32, #tpu.memory_space<vmem>>, vector<16xi32>,
      %and3A_79 = arith.constant 65535 : i32
      %and3A_80 = vector.broadcast %and3A_79 : i32 to vector<16xi32>
      %and3A_81 = arith.andi %get3A_78, %and3A_80 : vector<16xi32>
      %shift_right_logical3A_82 = arith.constant 16 : i32
      %shift_right_logical3A_83 = vector.broadcast %shift_right_logical3A_82 : i32 to vector<16xi32>
      %shift_right_logical3A_84 = arith.shrui %get3A_78, %shift_right_logical3A_83 : vector<16xi32>
      tpu.vector_store_idx %arg7[%and3A_81], %broadcast_in_dim3A_3 {add = true} : memref<2048xf32, #tpu.memory_space<vmem>>[vector<16xi32>], vector<16xf32>,
      tpu.vector_store_idx %arg7[%shift_right_logical3A_84], %broadcast_in_dim3A_3 {add = true} : memref<2048xf32, #tpu.memory_space<vmem>>[vector<16xi32>], vector<16xf32>,
      %add3A_85 = arith.constant 48 : i32
      %add3A_86 = arith.addi %add3A_57, %add3A_85 : i32
      %get3A_87 = arith.index_cast %add3A_86 : i32 to index
      %get3A_88 = tpu.vector_load %arg5[%get3A_87] {strides = array<i32>} : memref<16000xi32, #tpu.memory_space<vmem>>, vector<16xi32>,
      %and3A_89 = arith.constant 65535 : i32
      %and3A_90 = vector.broadcast %and3A_89 : i32 to vector<16xi32>
      %and3A_91 = arith.andi %get3A_88, %and3A_90 : vector<16xi32>
      %shift_right_logical3A_92 = arith.constant 16 : i32
      %shift_right_logical3A_93 = vector.broadcast %shift_right_logical3A_92 : i32 to vector<16xi32>
      %shift_right_logical3A_94 = arith.shrui %get3A_88, %shift_right_logical3A_93 : vector<16xi32>
      tpu.vector_store_idx %arg7[%and3A_91], %broadcast_in_dim3A_3 {add = true} : memref<2048xf32, #tpu.memory_space<vmem>>[vector<16xi32>], vector<16xf32>,
      tpu.vector_store_idx %arg7[%shift_right_logical3A_94], %broadcast_in_dim3A_3 {add = true} : memref<2048xf32, #tpu.memory_space<vmem>>[vector<16xi32>], vector<16xf32>,
    }
    %scan3A_42 = arith.constant 250 : i32
    %add3A_43 = arith.constant 16 : i32
    %add3A_44 = arith.addi %mul3A_2, %add3A_43 : i32
    %mul3A_45 = arith.constant 128 : i32
    %mul3A_46 = arith.muli %add3A_44, %mul3A_45 : i32
    %dma_start3A_47 = tpu.memref_slice %arg3[%mul3A_46] : memref<131072xf32, #tpu.memory_space<hbm>> -> memref<2048xf32, #tpu.memory_space<hbm>>
    %dma_start3A_48 = tpu.memref_slice %arg3[%mul3A_46] : memref<131072xf32, #tpu.memory_space<hbm>> -> memref<2048xf32, #tpu.memory_space<hbm>>
    tpu.enqueue_dma source(%arg7 : memref<2048xf32, #tpu.memory_space<vmem>>) target(%dma_start3A_48 : memref<2048xf32, #tpu.memory_space<hbm>>) target_semaphore(%arg11 : memref<!tpu.dma_semaphore, #tpu.memory_space<semaphore_mem>>)
    %dma_wait3A_49 = tpu.memref_slice %arg3[%mul3A_28] : memref<131072xf32, #tpu.memory_space<hbm>> -> memref<2048xf32, #tpu.memory_space<hbm>>
    %dma_wait3A_50 = tpu.memref_slice %arg3[%mul3A_28] : memref<131072xf32, #tpu.memory_space<hbm>> -> memref<2048xf32, #tpu.memory_space<hbm>>
    tpu.wait_dma2 semaphore(%arg10 : memref<!tpu.dma_semaphore, #tpu.memory_space<semaphore_mem>>) src(%arg6 : memref<2048xf32, #tpu.memory_space<vmem>>) dst(%dma_wait3A_50 : memref<2048xf32, #tpu.memory_space<hbm>>)
    %dma_wait3A_51 = tpu.memref_slice %arg3[%mul3A_46] : memref<131072xf32, #tpu.memory_space<hbm>> -> memref<2048xf32, #tpu.memory_space<hbm>>
    %dma_wait3A_52 = tpu.memref_slice %arg3[%mul3A_46] : memref<131072xf32, #tpu.memory_space<hbm>> -> memref<2048xf32, #tpu.memory_space<hbm>>
    tpu.wait_dma2 semaphore(%arg11 : memref<!tpu.dma_semaphore, #tpu.memory_space<semaphore_mem>>) src(%arg7 : memref<2048xf32, #tpu.memory_space<vmem>>) dst(%dma_wait3A_52 : memref<2048xf32, #tpu.memory_space<hbm>>)
    return
  }
}

module attributes {stable_mosaic.version = 14 : i64} {
  func.func @body(%arg0: memref<1024x128xf32, #tpu.memory_space<vmem>>, %arg1: memref<1024x128xf32, #tpu.memory_space<vmem>>, %arg2: memref<128x32xf32, #tpu.memory_space<vmem>>, %arg3: memref<128x32xf32, #tpu.memory_space<vmem>>, %arg4: memref<1024x32xf32, #tpu.memory_space<vmem>>) attributes {dimension_semantics = [], scalar_prefetch = 0 : i64, scratch_operands = 0 : i64, tpu.core_type = #tpu.core_type<tc>} {
    %get3A = arith.constant 0 : index
    %get3A_0 = arith.constant 0 : index
    %get3A_1 = vector.load %arg3[%get3A, %get3A_0] : memref<128x32xf32, #tpu.memory_space<vmem>>, vector<128x32xf32>
    %mul3A = arith.mulf %get3A_1, %get3A_1 : vector<128x32xf32>
    %reduce_sum3A = arith.constant dense<0.000000e+00> : vector<128xf32>
    %reduce_sum3A_2 = vector.multi_reduction <add>, %mul3A, %reduce_sum3A [1] : vector<128x32xf32> to vector<128xf32>
    %broadcast_in_dim3A = vector.shape_cast %reduce_sum3A_2 : vector<128xf32> to vector<128x1xf32>
    %sqrt3A = math.sqrt %broadcast_in_dim3A : vector<128x1xf32>
    %max3A = arith.constant 1.000000e-07 : f32
    %max3A_3 = vector.broadcast %max3A : f32 to vector<128x1xf32>
    %max3A_4 = arith.maximumf %sqrt3A, %max3A_3 : vector<128x1xf32>
    %div3A = arith.constant 1.000000e+00 : f32
    %div3A_5 = vector.broadcast %div3A : f32 to vector<128x1xf32>
    %div3A_6 = arith.divf %div3A_5, %max3A_4 : vector<128x1xf32>
    %min3A = arith.constant 1.000000e+00 : f32
    %min3A_7 = vector.broadcast %min3A : f32 to vector<128x1xf32>
    %min3A_8 = arith.minimumf %min3A_7, %div3A_6 : vector<128x1xf32>
    %mul3A_9 = vector.broadcast %min3A_8 : vector<128x1xf32> to vector<128x32xf32>
    %mul3A_10 = arith.mulf %get3A_1, %mul3A_9 : vector<128x32xf32>
    %get3A_11 = arith.constant 0 : index
    %get3A_12 = arith.constant 0 : index
    %get3A_13 = vector.load %arg2[%get3A_11, %get3A_12] : memref<128x32xf32, #tpu.memory_space<vmem>>, vector<128x32xf32>
    %mul3A_14 = arith.mulf %get3A_13, %get3A_13 : vector<128x32xf32>
    %reduce_sum3A_15 = arith.constant dense<0.000000e+00> : vector<128xf32>
    %reduce_sum3A_16 = vector.multi_reduction <add>, %mul3A_14, %reduce_sum3A_15 [1] : vector<128x32xf32> to vector<128xf32>
    %broadcast_in_dim3A_17 = vector.shape_cast %reduce_sum3A_16 : vector<128xf32> to vector<128x1xf32>
    %sqrt3A_18 = math.sqrt %broadcast_in_dim3A_17 : vector<128x1xf32>
    %max3A_19 = arith.constant 1.000000e-07 : f32
    %max3A_20 = vector.broadcast %max3A_19 : f32 to vector<128x1xf32>
    %max3A_21 = arith.maximumf %sqrt3A_18, %max3A_20 : vector<128x1xf32>
    %div3A_22 = arith.constant 1.000000e+00 : f32
    %div3A_23 = vector.broadcast %div3A_22 : f32 to vector<128x1xf32>
    %div3A_24 = arith.divf %div3A_23, %max3A_21 : vector<128x1xf32>
    %min3A_25 = arith.constant 1.000000e+00 : f32
    %min3A_26 = vector.broadcast %min3A_25 : f32 to vector<128x1xf32>
    %min3A_27 = arith.minimumf %min3A_26, %div3A_24 : vector<128x1xf32>
    %mul3A_28 = vector.broadcast %min3A_27 : vector<128x1xf32> to vector<128x32xf32>
    %mul3A_29 = arith.mulf %get3A_13, %mul3A_28 : vector<128x32xf32>
    %get3A_30 = arith.constant 0 : index
    %get3A_31 = arith.constant 0 : index
    %get3A_32 = vector.load %arg0[%get3A_30, %get3A_31] : memref<1024x128xf32, #tpu.memory_space<vmem>>, vector<1024x128xf32>
    %dot_general3A = arith.constant dense<0.000000e+00> : vector<1024x32xf32>
    %dot_general3A_33 = tpu.matmul %get3A_32, %mul3A_10, %dot_general3A {dimension_numbers = #tpu.dot_dimension_numbers<[1], [0], [0], [1], [0, 0, 1, 1], [], []>, precision = #tpu.contract_precision<fp32>, transpose_lhs_hint = false} : vector<1024x128xf32>, vector<128x32xf32>, vector<1024x32xf32> -> vector<1024x32xf32>
    %get3A_34 = arith.constant 0 : index
    %get3A_35 = arith.constant 0 : index
    %get3A_36 = vector.load %arg1[%get3A_34, %get3A_35] : memref<1024x128xf32, #tpu.memory_space<vmem>>, vector<1024x128xf32>
    %dot_general3A_37 = arith.constant dense<0.000000e+00> : vector<1024x32xf32>
    %dot_general3A_38 = tpu.matmul %get3A_36, %mul3A_29, %dot_general3A_37 {dimension_numbers = #tpu.dot_dimension_numbers<[1], [0], [0], [1], [0, 0, 1, 1], [], []>, precision = #tpu.contract_precision<fp32>, transpose_lhs_hint = false} : vector<1024x128xf32>, vector<128x32xf32>, vector<1024x32xf32> -> vector<1024x32xf32>
    %add3A = arith.addf %dot_general3A_33, %dot_general3A_38 : vector<1024x32xf32>
    %mul3A_39 = arith.constant 0.00999999977 : f32
    %mul3A_40 = vector.broadcast %mul3A_39 : f32 to vector<1024x32xf32>
    %mul3A_41 = arith.mulf %add3A, %mul3A_40 : vector<1024x32xf32>
    %swap3A = arith.constant 0 : index
    %swap3A_42 = arith.constant 0 : index
    %swap3A_43 = vector.load %arg4[%swap3A, %swap3A_42] : memref<1024x32xf32, #tpu.memory_space<vmem>>, vector<1024x32xf32>
    tpu.vector_store %arg4[%swap3A, %swap3A_42], %mul3A_41 {strides = array<i32>} : memref<1024x32xf32, #tpu.memory_space<vmem>>, vector<1024x32xf32>,
    return
  }
}

</mosaic_0001>

<sc_bundles>
// kernel: kernel.4.cloned.1.call-start
scs
__scs_entry_jumppad:
0x0: {  	(pc) =	sbr.rel $0x88, $3  }
0x1: {  	(tag) =	ssettag $0x0;
	lr =	simm.s32 $0x1  }
0x2: {  	[smem:$0x3F9D] =	sst lr;
	_ =	strace $0xD0000000  }
0x3: {  	_ = 	snop  }
0x4: {  	_ = 	snop  }
0x5: {  	_ = 	snop  }
0x6: {  	_ = 	snop  }
0x7: {  	_ = 	snop  }
__scs_overlays_trampoline_lowered:
0x8: {  	[smem:$0x3FAC] =	sst s0  }
0x9: {  	[smem:$0x3FAD] =	sst s1  }
0xa: {  	[smem:$0x3FAE] =	sst s2  }
0xb: {  	[smem:$0x3FAF] =	sst s3  }
0xc: {  	[smem:$0x3FB0] =	sst s4  }
0xd: {  	[smem:$0x3FB1] =	sst s5  }
0xe: {  	[smem:$0x3FB2] =	sst s6  }
0xf: {  	[smem:$0x3FB3] =	sst s7  }
0x10: {  	[smem:$0x3FB4] =	sst s8  }
0x11: {  	[smem:$0x3FB5] =	sst s9;
	s0 =	simm.s32 @!p0 $0x0  }
0x12: {  	s1 =	sld [smem:$0x3F9B];
	s0 =	simm.s32 @p0 $0x1  }
0x13: {  	[smem:$0x3FB6] =	sst s0;
	s0 =	simm.s32 @!p1 $0x0  }
0x14: {  	s2 =	sld [smem:$0x3F9A];
	s0 =	simm.s32 @p1 $0x1  }
0x15: {  	[smem:$0x3FB7] =	sst s0;
	s0 =	simm.s32 @!p2 $0x0  }
0x16: {  	s3 =	sld [smem:$0x3FDB];
	s0 =	simm.s32 @p2 $0x1  }
0x17: {  	s4 =	simm.s32 $0x1BF5;
	[smem:$0x3FB9] =	sst s0  }
0x18: {  	s0 =	sld [smem:$0x3F9C];
	_ =	swait.ge [sflag:s4], $0x0  }
0x19: {  	s7 =	sld [smem:$0x3F9D]  }
0x1a: {  	s8 =	sadd.s32 $0xFFFFE003, lr  }
0x1b: {  	s9 =	sadd.s32 $0xFFFFFEF7, lr;
	s5 =	simm.s32 $0xFFFFFFFF;
	p2 =	slt.u32 s8, $0xFFFFF086  }
0x1c: {  	p1 =	slt.u32 s9, $0xF7A;
	s5 =	simm.s32 @!p2 $0x0  }
0x1d: {  	s5 =	simm.s32 @p1 $0x1;
	p0 =	seq.s32 s7, s2  }
0x1e: {  	s7 =	smul.u32 @!p0 $0xF7A, s2;
	p2 =	seq.s32 @!p0 s5, $0x0  }
0x1f: {  	s9 =	smul.u32 $0xF7A, s1;
	s8 =	simm.s32 @!p0 $0x1BF5;
	p2 =	por !p2, p0  }
0x20: {  	[sflag:s8] =	ssyncset.s32 @!p0 $0xFFFFF086;
	s6 =	sadd.s32 @!p0 s3, s7;
	s7 =	simm.s32 @!p0 $0x108  }
0x21: {  	s3 =	sadd.s32 s3, s9;
	s6 =	sadd.s32 @!p0 $0x88, s6;
	s7 =	simm.s32 @p2 $0x1082  }
0x22: {  	[simem:s7], [sflag:s8] =	dma.local @!p0 [hbm:s6], $0xF7A  }
0x23: {  	s9 =	sor.u32 $0xD0000000, s2;
	s6 =	simm.s32 $0x108;
	_ =	swait.ge @!p0 [sflag:s8], $0x0  }
0x24: {  	s3 =	sadd.s32 $0x88, s3;
	s6 =	simm.s32 @!p1 $0x1082;
	[sflag:s4] =	ssyncset.s32 $0xFFFFF086  }
0x25: {  	[simem:s6], [sflag:s4] =	dma.local [hbm:s3], $0xF7A  }
0x26: {  	[smem:$0x3F9D] =	sst s1;
	(tag) =	ssettag s2;
	_ =	strace s9  }
0x27: {  	s1 =	sld [smem:$0x3FAD]  }
0x28: {  	s2 =	sld [smem:$0x3FAE]  }
0x29: {  	s4 =	sld [smem:$0x3FB0]  }
0x2a: {  	p0 =	seq.s32 s5, $0x0;
	s5 =	sld [smem:$0x3FB1]  }
0x2b: {  	s6 =	sld [smem:$0x3FB2]  }
0x2c: {  	s7 =	sld [smem:$0x3FB3]  }
0x2d: {  	s3 =	simm.s32 $0x108;
	s8 =	sld [smem:$0x3FB4]  }
0x2e: {  	s3 =	simm.s32 @!p0 $0x1082;
	s9 =	sld [smem:$0x3FB5]  }
0x2f: {  	lr =	sadd.s32 s0, s3;
	s0 =	sld [smem:$0x3FAC]  }
0x30: {  	s3 =	sld [smem:$0x3FAF]  }
0x31: {  	[smem:$0x3FB8] =	sst s10  }
0x32: {  	s10 =	sld [smem:$0x3FB6];
	_ =	sdelay $0x3  }
0x33: {  	p0 =	seq.s32 s10, $0x1;
	s10 =	sld [smem:$0x3FB8];
	_ =	sdelay $0x3  }
0x34: {  	[smem:$0x3FB8] =	sst s10  }
0x35: {  	s10 =	sld [smem:$0x3FB7];
	_ =	sdelay $0x3  }
0x36: {  	p1 =	seq.s32 s10, $0x1;
	s10 =	sld [smem:$0x3FB8];
	_ =	sdelay $0x3  }
0x37: {  	[smem:$0x3FB8] =	sst s10  }
0x38: {  	s10 =	sld [smem:$0x3FB9]  }
0x39: {  	_ = 	snop;
	(pc) =	sbr.ind lr, $3  }
0x3a: {  	_ = 	snop  }
0x3b: {  	_ = 	snop  }
0x3c: {  	p2 =	seq.s32 s10, $0x1;
	s10 =	sld [smem:$0x3FB8]  }
0x3d: {  	_ =	shalt  }
0x3e: {  	_ =	shalt  }
0x3f: {  	_ =	shalt  }
0x40: {  	_ =	shalt  }
0x41: {  	_ =	shalt  }
0x42: {  	_ =	shalt  }
0x43: {  	_ =	shalt  }
0x44: {  	_ =	shalt  }
0x45: {  	_ =	shalt  }
0x46: {  	_ =	shalt  }
0x47: {  	_ =	shalt  }
0x48: {  	_ =	shalt  }
0x49: {  	_ =	shalt  }
0x4a: {  	_ =	shalt  }
0x4b: {  	_ =	shalt  }
0x4c: {  	_ =	shalt  }
0x4d: {  	_ =	shalt  }
0x4e: {  	_ =	shalt  }
0x4f: {  	_ =	shalt  }
0x50: {  	_ =	shalt  }
0x51: {  	_ =	shalt  }
0x52: {  	_ =	shalt  }
0x53: {  	_ =	shalt  }
0x54: {  	_ =	shalt  }
0x55: {  	_ =	shalt  }
0x56: {  	_ =	shalt  }
0x57: {  	_ =	shalt  }
0x58: {  	_ =	shalt  }
0x59: {  	_ =	shalt  }
0x5a: {  	_ =	shalt  }
0x5b: {  	_ =	shalt  }
0x5c: {  	_ =	shalt  }
0x5d: {  	_ =	shalt  }
0x5e: {  	_ =	shalt  }
0x5f: {  	_ =	shalt  }
0x60: {  	_ =	shalt  }
0x61: {  	_ =	shalt  }
0x62: {  	_ =	shalt  }
0x63: {  	_ =	shalt  }
0x64: {  	_ =	shalt  }
0x65: {  	_ =	shalt  }
0x66: {  	_ =	shalt  }
0x67: {  	_ =	shalt  }
0x68: {  	_ =	shalt  }
0x69: {  	_ =	shalt  }
0x6a: {  	_ =	shalt  }
0x6b: {  	_ =	shalt  }
0x6c: {  	_ =	shalt  }
0x6d: {  	_ =	shalt  }
0x6e: {  	_ =	shalt  }
0x6f: {  	_ =	shalt  }
0x70: {  	_ =	shalt  }
0x71: {  	_ =	shalt  }
0x72: {  	_ =	shalt  }
0x73: {  	_ =	shalt  }
0x74: {  	_ =	shalt  }
0x75: {  	_ =	shalt  }
0x76: {  	_ =	shalt  }
0x77: {  	_ =	shalt  }
0x78: {  	_ =	shalt  }
0x79: {  	_ =	shalt  }
0x7a: {  	_ =	shalt  }
0x7b: {  	_ =	shalt  }
0x7c: {  	_ =	shalt  }
0x7d: {  	_ =	shalt  }
0x7e: {  	_ =	shalt  }
0x7f: {  	_ =	shalt  }
0x80: {  	_ =	shalt  }
0x81: {  	_ =	shalt  }
0x82: {  	_ =	shalt  }
0x83: {  	_ =	shalt  }
0x84: {  	_ =	shalt  }
0x85: {  	_ =	shalt  }
0x86: {  	_ =	shalt  }
0x87: {  	_ =	shalt  }
.Lfunc_end0:
.L_simem_size_0:
called_computation_lowered:
.L_overlay_start_0:
0x88: {  	s2 =	sld [smem:$0x3FD9]  }
0x89: {  	s3 =	sld [smem:$0x3FFE];
	_ =	sdelay $0x1  }
0x8a: {  	s1 =	srdreg.scid  }
0x8b: {  	s0 =	sand.u32 $0x1, s1  }
0x8c: {  	s16 =	sshll.u32 s0, $0xA;
	s2 =	sadd.s32 s3, s2  }
0x8d: {  	s2 =	sadd.s32 s2, s16  }
0x8e: {  	[smem:$0x3FC4] =	sst s2  }
0x8f: {  	_ = 	snop  }
0x90: {  	(tm) =	ssettm $0x1  }
0x91: {  	s17 =	sld [smem:$0x3FFB];
	_ =	sdelay $0x3  }
0x92: {  	_ =	strace s17  }
0x93: {  	s2 =	sld [smem:$0x3FFC];
	_ =	sdelay $0x3  }
0x94: {  	_ =	strace s2  }
0x95: {  	s2 =	sld [smem:$0x3FFD];
	_ =	sdelay $0x3  }
0x96: {  	_ =	strace s2  }
0x97: {  	_ =	strace $0x8FFFFFFF  }
0x98: {  	s18 =	sld [smem:$0x3FDB];
	_ =	sdelay $0x1  }
0x99: {  	s19 =	simm.s32 $_scs_section_size  }
0x9a: {  	s4 =	simm.s32 $_size__tile_overlayer_lowered;
	s5 =	simm.s32 $_tile_overlayer_lowered  }
0x9b: {  	s22 =	simm.s32 $0x1BFF;
	s21 =	sshll.u32 s5, $0x1;
	s2 =	sadd.s32 s19, s18  }
0x9c: {  	s6 =	simm.s32 $0x0;
	s20 =	sshll.u32 s4, $0x1;
	s4 =	sadd.s32 s21, s2  }
0x9d: {  	[timem:s6], [sflag:s22] =	dma.local [hbm:s4], s20  }
0x9e: {  	_ =	swait.ge [sflag:s22], s20  }
0x9f: {  	s3 =	ssub.s32 $0x0, s20;
	[sflag:s22] =	ssyncset.done $0x0  }
0xa0: {  	[sflag:s22] =	ssyncadd.s32 s3;
	_ =	sdelay $0x1  }
0xa1: {  	s23 =	simm.s32 $0x1B8B  }
0xa2: {  	_ =	swait.ge [sflag:s23], $0x1  }
0xa3: {  	[sflag:s23] =	ssyncset.done $0x0  }
0xa4: {  	s25 =	simm.s32 $0x1B8E;
	s24 =	sld [smem:$0x3FFE];
	[sflag:s23] =	ssyncadd.s32 $0xFFFFFFFF  }
0xa5: {  	s26 =	simm.s32 $execute0_lowered;
	[smem:$0x3FD2] =	sst s25  }
0xa6: {  	s4 =	sshll.u32 s26, $0x1;
	_ =	strace $0x80000046;
	[dreg:$0x1] =	wrdreg $0xFFFFFFFF  }
0xa7: {  	s28 =	simm.s32 $_size_execute0_lowered;
	s2 =	sadd.s32 s2, s4;
	[dreg:$0x0] =	wrdreg $0x0  }
0xa8: {  	s4 =	sshll.u32 s28, $0x1;
	[dreg:$0x2] =	wrdreg s2  }
0xa9: {  	[dreg:$0x3] =	wrdreg s4  }
0xaa: {  	[dreg:$0x4] =	wrdreg $0xC0  }
0xab: {  	_ =	task [dreg:s6], $0x5FFFF  }
0xac: {  	[dreg:$0x1] =	wrdreg $0xFFFFFFFF  }
0xad: {  	[dreg:$0x0] =	wrdreg $0x60  }
0xae: {  	[dreg:$0x2] =	wrdreg s24  }
0xaf: {  	[dreg:$0x3] =	wrdreg $0x9  }
0xb0: {  	_ =	task.clear_ibuf [dreg:s6], $0x4FFFF;
	_ =	strace $0x90000046  }
0xb1: {  	s29 =	simm.s32 $0x9;
	_ =	strace $0x80000048  }
0xb2: {  	_ =	swait.ge [sflag:s29], $0x1  }
0xb3: {  	[sflag:s29] =	ssyncadd.s32 $0xFFFFFFFF  }
0xb4: {  	_ =	strace $0x90000048  }
0xb5: {  	_ =	sfence  }
0xb6: {  	s30 =	sld [smem:$0x0];
	_ =	sdelay $0x2  }
0xb7: {  	s31 =	sshll.u32 s1, $0xD;
	s1 =	sshrl.u32 s1, $0x2  }
0xb8: {  	s3 =	sand.u32 $0x4000, s31;
	s1 =	sadd.s32 s1, s30  }
0xb9: {  	s0 =	sor.u32 s3, s0;
	s1 =	sshll.u32 s1, $0x11  }
0xba: {  	s0 =	sor.u32 s1, s0  }
0xbb: {  	s0 =	sadd.s32 $0x8F2B, s0  }
0xbc: {  	[sflag:s0] =	ssyncadd.remote.s32 $0x1  }
0xbd: {  	_ =	sfence.sel $0xFFFF  }
0xbe: {  	[dreg:$0x0] =	wrdreg $0xFFFFFFFF;
	(pc) =	sbr.abs _section_cstart, $3  }
0xbf: {  	[dreg:$0x1] =	wrdreg $0xFFFFFFFF  }
0xc0: {  	_ =	task.clear_ibuf [dreg:s6], $0x2FFFF;
	_ =	strace $0x9FFFFFFF  }
0xc1: {  	(tm) =	ssettm $0x7FFFFFFF  }
tec
execute0_lowered:
.L_overlay_start_1:
0x0: {  	(tag) =	ssettag $0x1  }
0x1: {  	s3 =	rddreg [dreg:$0x0]  }
0x2: {  	s0 =	rddreg [dreg:$0x1];
	s2 =	simm.s32 $0x0;
	s4 =	srdreg.scid  }
0x3: {  	s1 =	stileid.u32;
	s11 =	simm.s32 $0x2;
	s12 =	simm.s32 $0x8500  }
0x4: {  	s13 =	simm.s32 $0x3;
	s14 =	simm.s32 $0x4;
	s15 =	simm.s32 $0x0  }
0x5: {  	[smem:$0x7FF] =	sst s2;
	s4 =	sand.u32 $0x1, s4;
	s5 =	sshll.u32 s1, $0x1  }
0x6: {  	s6 =	sadd.s32 $0xC00, s3;
	s10 =	sadd.s32 $0x20000, s3;
	s5 =	sor.u32 s4, s5  }
0x7: {  	_ =	strace $0x80000047;
	s4 =	ssub.s32 $0x2, s4;
	s7 =	sshll.u32 s5, $0x5  }
0x8: {  	s8 =	sshrl.u32 s4, $0x1;
	s9 =	smul.u32 $0xFA0, s5;
	s7 =	sor.u32 $0x10, s7  }
0x9: {  	s5 =	sshll.u32 s5, $0x9;
	s8 =	ssub.s32 s4, s8;
	s31 =	smul.u32 $0x7D, s7  }
0xa: {  	s5 =	sadd.s32 s10, s5;
	s3 =	sadd.s32 s6, s9;
	s7 =	sshll.u32 s7, $0x4  }
0xb: {  	s9 =	simm.s32 $0x1;
	s4 =	sadd.s32 s6, s31;
	s6 =	sadd.s32 s10, s7  }
0xc: {  	v0 =	vimm.f32 $0.0e+00;
	v1 =	vimm.f32 $1.000000000e+00;
	s7 =	smax.u32 s8, $0x1;
	s8 =	simm.s32 $0x3E80;
	s10 =	simm.s32 $0x7D00  }
.LBB2_1:
0xd: {  	[tilespmem:s2], [sflag:$0x1] =	stream.linear.gather [hbm4b:s3+s2], $0x3E80, $0x38;
	[tilespmem:$0x8D00] =	vst v63  }
0xe: {  	s17 =	simm.s32 $0x100;
	s16 =	simm.s32 $0x0  }
0xf: {  	[tilespmem:s8], [sflag:$0x2] =	stream.linear.gather [hbm4b:s4+s2], $0x3E80, $0x38;
	[tilespmem:$0x8D00] =	vst v63  }
.LBB2_2:
0x10: {  	p0 =	sne.s32 s17, $0x1F00;
	[tilespmem:s16+$0x7D30] =	vst v0;
	s18 =	smov.u32 s17;
	s17 =	sadd.s32 $0x100, s17  }
.Ltmp0:
0x11: {  	[tilespmem:s16+$0x7D20] =	vst v0;
	(pc) =	sbr.rel @p0 .LBB2_2-.Ltmp0, $3  }
0x12: {  	[tilespmem:s16+$0x7D00] =	vst v0  }
0x13: {  	[tilespmem:s16+$0x7D10] =	vst v0;
	_ =	sdelay $0x1  }
0x14: {  	s16 =	sshra.s32 s18, $0x2  }
0x15: {  	[tilespmem:s16+$0x7D30] =	vst v0  }
0x16: {  	[tilespmem:s16+$0x7D20] =	vst v0  }
0x17: {  	[tilespmem:s16+$0x7D00] =	vst v0  }
0x18: {  	[tilespmem:s16+$0x7D10] =	vst v0  }
0x19: {  	_ =	swait.ge [sflag:s9], $0x3E80  }
0x1a: {  	[sflag:s9] =	ssyncset.done $0x0  }
0x1b: {  	s16 =	simm.s32 $0x0;
	[sflag:s9] =	ssyncadd.s32 $0xFFFFC180  }
.LBB2_4:
0x1c: {  	s17 =	sshra.s32 s16, $0x2  }
0x1d: {  	v2 =	vld [tilespmem:s17+$0x0];
	_ =	sdelay $0x4  }
0x1e: {  	v3 =	vand.u32 $0xFFFF, v2  }
0x1f: {  	v2 =	vshrl.u32 v2, $0x10;
	_ =	sdelay $0x3  }
0x20: {  	[tilespmem:v3+s10+$0x0] =	vst.idx.add.f32.msk $0xffff, v1  }
0x21: {  	[tilespmem:v2+s10+$0x0] =	vst.idx.add.f32.msk $0xffff, v1  }
0x22: {  	v2 =	vld [tilespmem:s17+$0x10];
	_ =	sdelay $0x4  }
0x23: {  	v3 =	vand.u32 $0xFFFF, v2  }
0x24: {  	v2 =	vshrl.u32 v2, $0x10;
	_ =	sdelay $0x3  }
0x25: {  	[tilespmem:v3+s10+$0x0] =	vst.idx.add.f32.msk $0xffff, v1  }
0x26: {  	[tilespmem:v2+s10+$0x0] =	vst.idx.add.f32.msk $0xffff, v1  }
0x27: {  	v2 =	vld [tilespmem:s17+$0x20];
	_ =	sdelay $0x4  }
0x28: {  	v3 =	vand.u32 $0xFFFF, v2  }
0x29: {  	v2 =	vshrl.u32 v2, $0x10;
	_ =	sdelay $0x3  }
0x2a: {  	[tilespmem:v3+s10+$0x0] =	vst.idx.add.f32.msk $0xffff, v1  }
0x2b: {  	[tilespmem:v2+s10+$0x0] =	vst.idx.add.f32.msk $0xffff, v1  }
0x2c: {  	v2 =	vld [tilespmem:s17+$0x30];
	_ =	sdelay $0x4  }
0x2d: {  	v3 =	vand.u32 $0xFFFF, v2  }
0x2e: {  	p0 =	sne.s32 s16, $0xF900;
	v2 =	vshrl.u32 v2, $0x10  }
.Ltmp1:
0x2f: {  	_ = 	snop;
	(pc) =	sbr.rel @p0 .LBB2_4-.Ltmp1, $3  }
0x30: {  	_ =	sdelay $0x1  }
0x31: {  	[tilespmem:v3+s10+$0x0] =	vst.idx.add.f32.msk $0xffff, v1  }
0x32: {  	s16 =	sadd.s32 $0x100, s16;
	[tilespmem:v2+s10+$0x0] =	vst.idx.add.f32.msk $0xffff, v1  }
0x33: {  	s16 =	simm.s32 $0x0  }
0x34: {  	[hbm4b:s5+s16] =	stream.linear.scatter [tilespmem:s10], [sflag:$0x3], $0x800, $0x38;
	[tilespmem:$0x8D00] =	vst v63  }
0x35: {  	s17 =	simm.s32 $0x100;
	s16 =	simm.s32 $0x0  }
.LBB2_6:
0x36: {  	p0 =	sne.s32 s17, $0x1F00;
	[tilespmem:s16+$0x8530] =	vst v0;
	s18 =	smov.u32 s17;
	s17 =	sadd.s32 $0x100, s17  }
.Ltmp2:
0x37: {  	[tilespmem:s16+$0x8520] =	vst v0;
	(pc) =	sbr.rel @p0 .LBB2_6-.Ltmp2, $3  }
0x38: {  	[tilespmem:s16+$0x8500] =	vst v0  }
0x39: {  	[tilespmem:s16+$0x8510] =	vst v0;
	_ =	sdelay $0x1  }
0x3a: {  	s16 =	sshra.s32 s18, $0x2  }
0x3b: {  	[tilespmem:s16+$0x8530] =	vst v0  }
0x3c: {  	[tilespmem:s16+$0x8520] =	vst v0  }
0x3d: {  	[tilespmem:s16+$0x8500] =	vst v0  }
0x3e: {  	[tilespmem:s16+$0x8510] =	vst v0  }
0x3f: {  	_ =	swait.ge [sflag:s11], $0x3E80  }
0x40: {  	[sflag:s11] =	ssyncset.done $0x0  }
0x41: {  	s16 =	simm.s32 $0x0;
	[sflag:s11] =	ssyncadd.s32 $0xFFFFC180  }
.LBB2_8:
0x42: {  	s17 =	sshra.s32 s16, $0x2  }
0x43: {  	v2 =	vld [tilespmem:s17+$0x3E80];
	_ =	sdelay $0x4  }
0x44: {  	v3 =	vand.u32 $0xFFFF, v2  }
0x45: {  	v2 =	vshrl.u32 v2, $0x10;
	_ =	sdelay $0x3  }
0x46: {  	[tilespmem:v3+s12+$0x0] =	vst.idx.add.f32.msk $0xffff, v1  }
0x47: {  	[tilespmem:v2+s12+$0x0] =	vst.idx.add.f32.msk $0xffff, v1  }
0x48: {  	v2 =	vld [tilespmem:s17+$0x3E90];
	_ =	sdelay $0x4  }
0x49: {  	v3 =	vand.u32 $0xFFFF, v2  }
0x4a: {  	v2 =	vshrl.u32 v2, $0x10;
	_ =	sdelay $0x3  }
0x4b: {  	[tilespmem:v3+s12+$0x0] =	vst.idx.add.f32.msk $0xffff, v1  }
0x4c: {  	[tilespmem:v2+s12+$0x0] =	vst.idx.add.f32.msk $0xffff, v1  }
0x4d: {  	v2 =	vld [tilespmem:s17+$0x3EA0];
	_ =	sdelay $0x4  }
0x4e: {  	v3 =	vand.u32 $0xFFFF, v2  }
0x4f: {  	v2 =	vshrl.u32 v2, $0x10;
	_ =	sdelay $0x3  }
0x50: {  	[tilespmem:v3+s12+$0x0] =	vst.idx.add.f32.msk $0xffff, v1  }
0x51: {  	[tilespmem:v2+s12+$0x0] =	vst.idx.add.f32.msk $0xffff, v1  }
0x52: {  	v2 =	vld [tilespmem:s17+$0x3EB0];
	_ =	sdelay $0x4  }
0x53: {  	v3 =	vand.u32 $0xFFFF, v2  }
0x54: {  	p0 =	sne.s32 s16, $0xF900;
	v2 =	vshrl.u32 v2, $0x10  }
.Ltmp3:
0x55: {  	_ = 	snop;
	(pc) =	sbr.rel @p0 .LBB2_8-.Ltmp3, $3  }
0x56: {  	_ =	sdelay $0x1  }
0x57: {  	[tilespmem:v3+s12+$0x0] =	vst.idx.add.f32.msk $0xffff, v1  }
0x58: {  	s16 =	sadd.s32 $0x100, s16;
	[tilespmem:v2+s12+$0x0] =	vst.idx.add.f32.msk $0xffff, v1  }
0x59: {  	[hbm4b:s6+s2] =	stream.linear.scatter [tilespmem:s12], [sflag:$0x4], $0x800, $0x38;
	[tilespmem:$0x8D00] =	vst v63  }
0x5a: {  	s15 =	sadd.s32 $0x1, s15  }
0x5b: {  	_ =	swait.ge [sflag:s13], $0x800;
	p0 =	sne.s32 s15, s7  }
.Ltmp4:
0x5c: {  	[sflag:s13] =	ssyncset.done $0x0;
	(pc) =	sbr.rel @p0 .LBB2_1-.Ltmp4, $4  }
0x5d: {  	[sflag:s13] =	ssyncadd.s32 $0xFFFFF800  }
0x5e: {  	_ =	swait.ge [sflag:s14], $0x800  }
0x5f: {  	[sflag:s14] =	ssyncset.done $0x0  }
0x60: {  	[sflag:s14] =	ssyncadd.s32 $0xFFFFF800  }
0x61: {  	_ =	sfence.sel $0x180000  }
0x62: {  	[bflag:$0x0] =	sbarrier.arrive $0xFFFF  }
0x63: {  	p0 =	sne.s32 s1, $0x0;
	_ =	strace $0x90000047  }
0x64: {  	s0 =	sadd.s32 @!p0 $0x100000, s0;
	[bflag:$0x2] =	sbarrier.arrive $0xFFFF  }
0x65: {  	[sflag:s0] =	ssyncadd.tile.s32 @!p0 $0x1;
	_ =	shalt  }
.Lfunc_end2:
_tile_overlayer_lowered:
.L_overlay_start_2:
0x66: {  	(tag) =	ssettag $0x2  }
0x67: {  	s0 =	rddreg [dreg:$0x0];
	s2 =	stileid.u32  }
0x68: {  	s1 =	rddreg [dreg:$0x1];
	p0 =	sne.s32 s2, $0x0  }
0x69: {  	s3 =	rddreg [dreg:$0x2];
	[bflag:$0x3] =	sbarrier.arrive $0xFFFF;
	s2 =	simm.s32 @!p0 $0x1C05  }
0x6a: {  	[timem:s3], [sflag:s2] =	dma.local @!p0 [hbm:s0], s1  }
0x6b: {  	s0 =	simm.s32 @!p0 $0x5  }
0x6c: {  	_ =	swait.ge @!p0 [sflag:s0], s1  }
0x6d: {  	s1 =	ssub.s32 @!p0 $0x0, s1;
	[sflag:s0] =	ssyncset.done @!p0 $0x0  }
0x6e: {  	[sflag:s0] =	ssyncadd.s32 @!p0 s1  }
0x6f: {  	[bflag:$0x3] =	sbarrier.arrive $0xFFFF  }
0x70: {  	_ =	shalt  }

</sc_bundles>
